<compile_context>
chip_gen: v7x
topology: tpu7x:2x2x1
jax: 0.10.2.dev20260603
libtpu: 0.0.44.dev20260713+nightly
codegen_flags: <defaults>
</compile_context>

<pallas_src>
import jax
import jax.numpy as jnp
from jax import lax
from jax.experimental import pallas as pl
from jax.experimental.pallas import tpu as pltpu
from jax.experimental.pallas import tpu_sc as plsc

VOCAB = 100000
HIDDEN = 4096
TOKENS = 8192

NC = 2
NS = 16
NW = NC * NS
TOK_PER_W = TOKENS // NW
C = 8
NCHUNK = TOK_PER_W // C

_mesh = plsc.VectorSubcoreMesh(
    core_axis_name="c", subcore_axis_name="s", num_cores=NC, num_subcores=NS
)


def _embed(idx, weight):
    def body(idx_hbm, table_hbm, out_hbm, idx_v, buf0, buf1,
             gsem0, gsem1, ssem0, ssem1):
        wid = lax.axis_index("s") * NC + lax.axis_index("c")
        base = wid * TOK_PER_W
        pltpu.sync_copy(idx_hbm.at[pl.ds(base, TOK_PER_W)], idx_v)

        bufs = (buf0, buf1)
        gsems = (gsem0, gsem1)
        ssems = (ssem0, ssem1)

        def gather_desc(j, b):
            return pltpu.make_async_copy(
                table_hbm.at[idx_v.at[pl.ds(j * C, C)]], bufs[b], gsems[b])

        def scatter_desc(j, b):
            return pltpu.make_async_copy(
                bufs[b], out_hbm.at[pl.ds(base + j * C, C)], ssems[b])

        gather_desc(0, 0).start()

        @pl.loop(0, NCHUNK // 2)
        def _(g):
            j0 = 2 * g
            @pl.when(g > 0)
            def _():
                scatter_desc(j0 - 1, 1).wait()
            gather_desc(j0 + 1, 1).start()
            gather_desc(j0, 0).wait()
            scatter_desc(j0, 0).start()
            scatter_desc(j0, 0).wait()

            @pl.when(g < NCHUNK // 2 - 1)
            def _():
                gather_desc(j0 + 2, 0).start()
            gather_desc(j0 + 1, 1).wait()
            scatter_desc(j0 + 1, 1).start()

        scatter_desc(NCHUNK - 1, 1).wait()

    f = pl.kernel(
        body,
        out_type=jax.ShapeDtypeStruct((TOKENS, HIDDEN), jnp.float32),
        mesh=_mesh,
        scratch_types=[
            pltpu.VMEM((TOK_PER_W,), jnp.int32),
            pltpu.VMEM((C, HIDDEN), jnp.float32),
            pltpu.VMEM((C, HIDDEN), jnp.float32),
            pltpu.SemaphoreType.DMA,
            pltpu.SemaphoreType.DMA,
            pltpu.SemaphoreType.DMA,
            pltpu.SemaphoreType.DMA,
        ],
    )
    return f(idx, weight)


def kernel(input, weight):
    return _embed(input, weight)

# --- scband reference (transcript-rebuilt; emitter-appended) ---
"""Pipeline reference for scband-embedding-36249523978526 (READ-ONLY COPY).

The authoritative reference and input builder live on the scoring server;
editing this copy changes nothing except your own understanding.
"""

import jax, jax.numpy as jnp
import numpy as np

VOCAB = 100000
HIDDEN = 4096
TOKENS = 8192

def setup_inputs(seed: int = 0) -> dict:
    key = jax.random.key(seed)
    k_idx, k_w = jax.random.split(key)
    input = jax.random.randint(k_idx, (TOKENS,), 0, VOCAB, dtype=jnp.int64 if jax.config.jax_enable_x64 else jnp.int32).astype(jnp.int32)
    weight = jax.random.normal(k_w, (VOCAB, HIDDEN), dtype=jnp.float32) * 0.02
    return {"input": input, "weight": weight}

def reference(input, weight):
    # Faithful translation of rtp_llm_ops.embedding: row gather from the table.
    # tp_size == 1, so the all-gather / reshape branch is a no-op.
    output = jnp.take(weight, input, axis=0)
    return output

if __name__ == "__main__":
    import jax
    _d = setup_inputs()
    print(jax.jit(kernel)(*tuple(_d.values())))

</pallas_src>

<mosaic_0001>
#map = affine_map<(d0, d1) -> (0)>
#map1 = affine_map<(d0, d1) -> (0, 0)>
module attributes {stable_mosaic.version = 14 : i64} {
  func.func @body(%arg0: i32, %arg1: i32, %arg2: memref<8192xi32, #tpu.memory_space<hbm>>, %arg3: memref<100000x4096xf32, #tpu.memory_space<hbm>>, %arg4: memref<8192x4096xf32, #tpu.memory_space<hbm>>, %arg5: memref<256xi32, #tpu.memory_space<vmem>>, %arg6: memref<8x4096xf32, #tpu.memory_space<vmem>>, %arg7: memref<8x4096xf32, #tpu.memory_space<vmem>>, %arg8: memref<!tpu.dma_semaphore, #tpu.memory_space<semaphore_mem>>, %arg9: memref<!tpu.dma_semaphore, #tpu.memory_space<semaphore_mem>>, %arg10: memref<!tpu.dma_semaphore, #tpu.memory_space<semaphore_mem>>, %arg11: memref<!tpu.dma_semaphore, #tpu.memory_space<semaphore_mem>>) attributes {dimension_semantics = [#tpu.dimension_semantics<core_parallel>, #tpu.dimension_semantics<subcore_parallel>], iteration_bounds = array<i64: 2, 16>, scalar_prefetch = 0 : i64, scratch_operands = 7 : i64, tpu.core_type = #tpu.core_type<sc_vector_subcore>, window_params = [{transform_indices = #map}, {transform_indices = #map1}, {transform_indices = #map1}]} {
    %mul3A = arith.constant 2 : i32
    %mul3A_0 = arith.muli %arg1, %mul3A : i32
    %add3A = arith.addi %mul3A_0, %arg0 : i32
    %mul3A_1 = arith.constant 256 : i32
    %mul3A_2 = arith.muli %add3A, %mul3A_1 : i32
    "tpu.region"() ({
      %run_scoped3A = tpu.sem_alloc : memref<!tpu.dma_semaphore, #tpu.memory_space<semaphore_mem>>
      %dma_start3A_16 = tpu.memref_slice %arg2[%mul3A_2] : memref<8192xi32, #tpu.memory_space<hbm>> -> memref<256xi32, #tpu.memory_space<hbm>>
      %dma_start3A_17 = tpu.memref_slice %arg2[%mul3A_2] : memref<8192xi32, #tpu.memory_space<hbm>> -> memref<256xi32, #tpu.memory_space<hbm>>
      tpu.enqueue_dma source(%dma_start3A_17 : memref<256xi32, #tpu.memory_space<hbm>>) target(%arg5 : memref<256xi32, #tpu.memory_space<vmem>>) target_semaphore(%run_scoped3A : memref<!tpu.dma_semaphore, #tpu.memory_space<semaphore_mem>>)
      %dma_wait3A_18 = tpu.memref_slice %arg2[%mul3A_2] : memref<8192xi32, #tpu.memory_space<hbm>> -> memref<256xi32, #tpu.memory_space<hbm>>
      %dma_wait3A_19 = tpu.memref_slice %arg2[%mul3A_2] : memref<8192xi32, #tpu.memory_space<hbm>> -> memref<256xi32, #tpu.memory_space<hbm>>
      tpu.wait_dma2 semaphore(%run_scoped3A : memref<!tpu.dma_semaphore, #tpu.memory_space<semaphore_mem>>) src(%dma_wait3A_19 : memref<256xi32, #tpu.memory_space<hbm>>) dst(%arg5 : memref<256xi32, #tpu.memory_space<vmem>>)
      tpu.yield
    }) : () -> ()
    %dma_start3A = arith.constant 0 : i32
    %dma_start3A_3 = tpu.memref_slice %arg5[%dma_start3A] : memref<256xi32, #tpu.memory_space<vmem>> -> memref<8xi32, #tpu.memory_space<vmem>>
    %dma_start3A_4 = arith.constant 0 : i32
    %dma_start3A_5 = arith.constant 0 : i32
    %dma_start3A_6 = tpu.memref_slice %arg3[%dma_start3A_4, %dma_start3A_5] : memref<100000x4096xf32, #tpu.memory_space<hbm>> -> memref<100000x4096xf32, #tpu.memory_space<hbm>>
    tpu.enqueue_indirect_dma source(%dma_start3A_6 : memref<100000x4096xf32, #tpu.memory_space<hbm>>) target(%arg6 : memref<8x4096xf32, #tpu.memory_space<vmem>>) offsets(%dma_start3A_3 : memref<8xi32, #tpu.memory_space<vmem>>) semaphore(%arg8 : memref<!tpu.dma_semaphore, #tpu.memory_space<semaphore_mem>>)
    %scan3A = arith.constant 0 : i32
    %scan3A_7 = arith.constant 16 : i32
    %scan3A_8 = arith.addi %scan3A, %scan3A_7 : i32
    %scan3A_9 = arith.constant 1 : i32
    scf.for %scan3A_16 = %scan3A to %scan3A_8 step %scan3A_9  : i32 {
      %mul3A_17 = arith.constant 1 : i32
      %mul3A_18 = arith.muli %scan3A_16, %mul3A_17 : i32
      %add3A_19 = arith.constant 0 : i32
      %add3A_20 = arith.addi %add3A_19, %mul3A_18 : i32
      %mul3A_21 = arith.constant 2 : i32
      %mul3A_22 = arith.muli %mul3A_21, %add3A_20 : i32
      %gt3A = arith.constant 0 : i32
      %gt3A_23 = arith.cmpi sgt, %add3A_20, %gt3A : i32
      %convert_element_type3A = arith.extui %gt3A_23 : i1 to i32
      %cond3A = arith.constant 0 : i32
      %cond3A_24 = arith.cmpi ne, %convert_element_type3A, %cond3A : i32
      scf.if %cond3A_24 {
        %sub3A = arith.constant 1 : i32
        %sub3A_74 = arith.subi %mul3A_22, %sub3A : i32
        %mul3A_75 = arith.constant 8 : i32
        %mul3A_76 = arith.muli %sub3A_74, %mul3A_75 : i32
        %add3A_77 = arith.addi %mul3A_2, %mul3A_76 : i32
        %dma_wait3A_78 = arith.constant 0 : i32
        %dma_wait3A_79 = tpu.memref_slice %arg4[%add3A_77, %dma_wait3A_78] : memref<8192x4096xf32, #tpu.memory_space<hbm>> -> memref<8x4096xf32, #tpu.memory_space<hbm>>
        %dma_wait3A_80 = arith.constant 0 : i32
        %dma_wait3A_81 = tpu.memref_slice %arg4[%add3A_77, %dma_wait3A_80] : memref<8192x4096xf32, #tpu.memory_space<hbm>> -> memref<8x4096xf32, #tpu.memory_space<hbm>>
        tpu.wait_dma2 semaphore(%arg11 : memref<!tpu.dma_semaphore, #tpu.memory_space<semaphore_mem>>) src(%arg7 : memref<8x4096xf32, #tpu.memory_space<vmem>>) dst(%dma_wait3A_81 : memref<8x4096xf32, #tpu.memory_space<hbm>>)
      } else {
      }
      %add3A_25 = arith.constant 1 : i32
      %add3A_26 = arith.addi %mul3A_22, %add3A_25 : i32
      %mul3A_27 = arith.constant 8 : i32
      %mul3A_28 = arith.muli %add3A_26, %mul3A_27 : i32
      %dma_start3A_29 = tpu.memref_slice %arg5[%mul3A_28] : memref<256xi32, #tpu.memory_space<vmem>> -> memref<8xi32, #tpu.memory_space<vmem>>
      %dma_start3A_30 = arith.constant 0 : i32
      %dma_start3A_31 = arith.constant 0 : i32
      %dma_start3A_32 = tpu.memref_slice %arg3[%dma_start3A_30, %dma_start3A_31] : memref<100000x4096xf32, #tpu.memory_space<hbm>> -> memref<100000x4096xf32, #tpu.memory_space<hbm>>
      tpu.enqueue_indirect_dma source(%dma_start3A_32 : memref<100000x4096xf32, #tpu.memory_space<hbm>>) target(%arg7 : memref<8x4096xf32, #tpu.memory_space<vmem>>) offsets(%dma_start3A_29 : memref<8xi32, #tpu.memory_space<vmem>>) semaphore(%arg9 : memref<!tpu.dma_semaphore, #tpu.memory_space<semaphore_mem>>)
      %mul3A_33 = arith.constant 8 : i32
      %mul3A_34 = arith.muli %mul3A_22, %mul3A_33 : i32
      %dma_wait3A_35 = tpu.memref_slice %arg5[%mul3A_34] : memref<256xi32, #tpu.memory_space<vmem>> -> memref<8xi32, #tpu.memory_space<vmem>>
      %dma_wait3A_36 = arith.constant 0 : i32
      %dma_wait3A_37 = arith.constant 0 : i32
      %dma_wait3A_38 = tpu.memref_slice %arg3[%dma_wait3A_36, %dma_wait3A_37] : memref<100000x4096xf32, #tpu.memory_space<hbm>> -> memref<100000x4096xf32, #tpu.memory_space<hbm>>
      tpu.wait_indirect_dma semaphore(%arg8 : memref<!tpu.dma_semaphore, #tpu.memory_space<semaphore_mem>>) src(%dma_wait3A_38 : memref<100000x4096xf32, #tpu.memory_space<hbm>>) dst(%arg6 : memref<8x4096xf32, #tpu.memory_space<vmem>>)
      %mul3A_39 = arith.constant 8 : i32
      %mul3A_40 = arith.muli %mul3A_22, %mul3A_39 : i32
      %add3A_41 = arith.addi %mul3A_2, %mul3A_40 : i32
      %dma_start3A_42 = arith.constant 0 : i32
      %dma_start3A_43 = tpu.memref_slice %arg4[%add3A_41, %dma_start3A_42] : memref<8192x4096xf32, #tpu.memory_space<hbm>> -> memref<8x4096xf32, #tpu.memory_space<hbm>>
      %dma_start3A_44 = arith.constant 0 : i32
      %dma_start3A_45 = tpu.memref_slice %arg4[%add3A_41, %dma_start3A_44] : memref<8192x4096xf32, #tpu.memory_space<hbm>> -> memref<8x4096xf32, #tpu.memory_space<hbm>>
      tpu.enqueue_dma source(%arg6 : memref<8x4096xf32, #tpu.memory_space<vmem>>) target(%dma_start3A_45 : memref<8x4096xf32, #tpu.memory_space<hbm>>) target_semaphore(%arg10 : memref<!tpu.dma_semaphore, #tpu.memory_space<semaphore_mem>>)
      %mul3A_46 = arith.constant 8 : i32
      %mul3A_47 = arith.muli %mul3A_22, %mul3A_46 : i32
      %add3A_48 = arith.addi %mul3A_2, %mul3A_47 : i32
      %dma_wait3A_49 = arith.constant 0 : i32
      %dma_wait3A_50 = tpu.memref_slice %arg4[%add3A_48, %dma_wait3A_49] : memref<8192x4096xf32, #tpu.memory_space<hbm>> -> memref<8x4096xf32, #tpu.memory_space<hbm>>
      %dma_wait3A_51 = arith.constant 0 : i32
      %dma_wait3A_52 = tpu.memref_slice %arg4[%add3A_48, %dma_wait3A_51] : memref<8192x4096xf32, #tpu.memory_space<hbm>> -> memref<8x4096xf32, #tpu.memory_space<hbm>>
      tpu.wait_dma2 semaphore(%arg10 : memref<!tpu.dma_semaphore, #tpu.memory_space<semaphore_mem>>) src(%arg6 : memref<8x4096xf32, #tpu.memory_space<vmem>>) dst(%dma_wait3A_52 : memref<8x4096xf32, #tpu.memory_space<hbm>>)
      %lt3A = arith.constant 15 : i32
      %lt3A_53 = arith.cmpi slt, %add3A_20, %lt3A : i32
      %convert_element_type3A_54 = arith.extui %lt3A_53 : i1 to i32
      %cond3A_55 = arith.constant 0 : i32
      %cond3A_56 = arith.cmpi ne, %convert_element_type3A_54, %cond3A_55 : i32
      scf.if %cond3A_56 {
        %add3A_74 = arith.constant 2 : i32
        %add3A_75 = arith.addi %mul3A_22, %add3A_74 : i32
        %mul3A_76 = arith.constant 8 : i32
        %mul3A_77 = arith.muli %add3A_75, %mul3A_76 : i32
        %dma_start3A_78 = tpu.memref_slice %arg5[%mul3A_77] : memref<256xi32, #tpu.memory_space<vmem>> -> memref<8xi32, #tpu.memory_space<vmem>>
        %dma_start3A_79 = arith.constant 0 : i32
        %dma_start3A_80 = arith.constant 0 : i32
        %dma_start3A_81 = tpu.memref_slice %arg3[%dma_start3A_79, %dma_start3A_80] : memref<100000x4096xf32, #tpu.memory_space<hbm>> -> memref<100000x4096xf32, #tpu.memory_space<hbm>>
        tpu.enqueue_indirect_dma source(%dma_start3A_81 : memref<100000x4096xf32, #tpu.memory_space<hbm>>) target(%arg6 : memref<8x4096xf32, #tpu.memory_space<vmem>>) offsets(%dma_start3A_78 : memref<8xi32, #tpu.memory_space<vmem>>) semaphore(%arg8 : memref<!tpu.dma_semaphore, #tpu.memory_space<semaphore_mem>>)
      } else {
      }
      %add3A_57 = arith.constant 1 : i32
      %add3A_58 = arith.addi %mul3A_22, %add3A_57 : i32
      %mul3A_59 = arith.constant 8 : i32
      %mul3A_60 = arith.muli %add3A_58, %mul3A_59 : i32
      %dma_wait3A_61 = tpu.memref_slice %arg5[%mul3A_60] : memref<256xi32, #tpu.memory_space<vmem>> -> memref<8xi32, #tpu.memory_space<vmem>>
      %dma_wait3A_62 = arith.constant 0 : i32
      %dma_wait3A_63 = arith.constant 0 : i32
      %dma_wait3A_64 = tpu.memref_slice %arg3[%dma_wait3A_62, %dma_wait3A_63] : memref<100000x4096xf32, #tpu.memory_space<hbm>> -> memref<100000x4096xf32, #tpu.memory_space<hbm>>
      tpu.wait_indirect_dma semaphore(%arg9 : memref<!tpu.dma_semaphore, #tpu.memory_space<semaphore_mem>>) src(%dma_wait3A_64 : memref<100000x4096xf32, #tpu.memory_space<hbm>>) dst(%arg7 : memref<8x4096xf32, #tpu.memory_space<vmem>>)
      %add3A_65 = arith.constant 1 : i32
      %add3A_66 = arith.addi %mul3A_22, %add3A_65 : i32
      %mul3A_67 = arith.constant 8 : i32
      %mul3A_68 = arith.muli %add3A_66, %mul3A_67 : i32
      %add3A_69 = arith.addi %mul3A_2, %mul3A_68 : i32
      %dma_start3A_70 = arith.constant 0 : i32
      %dma_start3A_71 = tpu.memref_slice %arg4[%add3A_69, %dma_start3A_70] : memref<8192x4096xf32, #tpu.memory_space<hbm>> -> memref<8x4096xf32, #tpu.memory_space<hbm>>
      %dma_start3A_72 = arith.constant 0 : i32
      %dma_start3A_73 = tpu.memref_slice %arg4[%add3A_69, %dma_start3A_72] : memref<8192x4096xf32, #tpu.memory_space<hbm>> -> memref<8x4096xf32, #tpu.memory_space<hbm>>
      tpu.enqueue_dma source(%arg7 : memref<8x4096xf32, #tpu.memory_space<vmem>>) target(%dma_start3A_73 : memref<8x4096xf32, #tpu.memory_space<hbm>>) target_semaphore(%arg11 : memref<!tpu.dma_semaphore, #tpu.memory_space<semaphore_mem>>)
    }
    %scan3A_10 = arith.constant 16 : i32
    %add3A_11 = arith.constant 248 : i32
    %add3A_12 = arith.addi %mul3A_2, %add3A_11 : i32
    %dma_wait3A = arith.constant 0 : i32
    %dma_wait3A_13 = tpu.memref_slice %arg4[%add3A_12, %dma_wait3A] : memref<8192x4096xf32, #tpu.memory_space<hbm>> -> memref<8x4096xf32, #tpu.memory_space<hbm>>
    %dma_wait3A_14 = arith.constant 0 : i32
    %dma_wait3A_15 = tpu.memref_slice %arg4[%add3A_12, %dma_wait3A_14] : memref<8192x4096xf32, #tpu.memory_space<hbm>> -> memref<8x4096xf32, #tpu.memory_space<hbm>>
    tpu.wait_dma2 semaphore(%arg11 : memref<!tpu.dma_semaphore, #tpu.memory_space<semaphore_mem>>) src(%arg7 : memref<8x4096xf32, #tpu.memory_space<vmem>>) dst(%dma_wait3A_15 : memref<8x4096xf32, #tpu.memory_space<hbm>>)
    return
  }
}

</mosaic_0001>

<sc_bundles>
// kernel: kernel.3.cloned.1.call-start
scs
__scs_entry_jumppad:
0x0: {  	(pc) =	sbr.rel $0x88, $3  }
0x1: {  	(tag) =	ssettag $0x0;
	lr =	simm.s32 $0x1  }
0x2: {  	[smem:$0x3F9F] =	sst lr;
	_ =	strace $0xD0000000  }
0x3: {  	_ = 	snop  }
0x4: {  	_ = 	snop  }
0x5: {  	_ = 	snop  }
0x6: {  	_ = 	snop  }
0x7: {  	_ = 	snop  }
__scs_overlays_trampoline_lowered:
0x8: {  	[smem:$0x3FAE] =	sst s0  }
0x9: {  	[smem:$0x3FAF] =	sst s1  }
0xa: {  	[smem:$0x3FB0] =	sst s2  }
0xb: {  	[smem:$0x3FB1] =	sst s3  }
0xc: {  	[smem:$0x3FB2] =	sst s4  }
0xd: {  	[smem:$0x3FB3] =	sst s5  }
0xe: {  	[smem:$0x3FB4] =	sst s6  }
0xf: {  	[smem:$0x3FB5] =	sst s7  }
0x10: {  	[smem:$0x3FB6] =	sst s8  }
0x11: {  	[smem:$0x3FB7] =	sst s9;
	s0 =	simm.s32 @!p0 $0x0  }
0x12: {  	s1 =	sld [smem:$0x3F9D];
	s0 =	simm.s32 @p0 $0x1  }
0x13: {  	[smem:$0x3FB8] =	sst s0;
	s0 =	simm.s32 @!p1 $0x0  }
0x14: {  	s2 =	sld [smem:$0x3F9C];
	s0 =	simm.s32 @p1 $0x1  }
0x15: {  	[smem:$0x3FB9] =	sst s0;
	s0 =	simm.s32 @!p2 $0x0  }
0x16: {  	s3 =	sld [smem:$0x3FDB];
	s0 =	simm.s32 @p2 $0x1  }
0x17: {  	s4 =	simm.s32 $0x1BF5;
	[smem:$0x3FBB] =	sst s0  }
0x18: {  	s0 =	sld [smem:$0x3F9E];
	_ =	swait.ge [sflag:s4], $0x0  }
0x19: {  	s7 =	sld [smem:$0x3F9F]  }
0x1a: {  	s8 =	sadd.s32 $0xFFFFE003, lr  }
0x1b: {  	s9 =	sadd.s32 $0xFFFFFEF7, lr;
	s5 =	simm.s32 $0xFFFFFFFF;
	p2 =	slt.u32 s8, $0xFFFFF086  }
0x1c: {  	p1 =	slt.u32 s9, $0xF7A;
	s5 =	simm.s32 @!p2 $0x0  }
0x1d: {  	s5 =	simm.s32 @p1 $0x1;
	p0 =	seq.s32 s7, s2  }
0x1e: {  	s7 =	smul.u32 @!p0 $0xF7A, s2;
	p2 =	seq.s32 @!p0 s5, $0x0  }
0x1f: {  	s9 =	smul.u32 $0xF7A, s1;
	s8 =	simm.s32 @!p0 $0x1BF5;
	p2 =	por !p2, p0  }
0x20: {  	[sflag:s8] =	ssyncset.s32 @!p0 $0xFFFFF086;
	s6 =	sadd.s32 @!p0 s3, s7;
	s7 =	simm.s32 @!p0 $0x108  }
0x21: {  	s3 =	sadd.s32 s3, s9;
	s6 =	sadd.s32 @!p0 $0x88, s6;
	s7 =	simm.s32 @p2 $0x1082  }
0x22: {  	[simem:s7], [sflag:s8] =	dma.local @!p0 [hbm:s6], $0xF7A  }
0x23: {  	s9 =	sor.u32 $0xD0000000, s2;
	s6 =	simm.s32 $0x108;
	_ =	swait.ge @!p0 [sflag:s8], $0x0  }
0x24: {  	s3 =	sadd.s32 $0x88, s3;
	s6 =	simm.s32 @!p1 $0x1082;
	[sflag:s4] =	ssyncset.s32 $0xFFFFF086  }
0x25: {  	[simem:s6], [sflag:s4] =	dma.local [hbm:s3], $0xF7A  }
0x26: {  	[smem:$0x3F9F] =	sst s1;
	(tag) =	ssettag s2;
	_ =	strace s9  }
0x27: {  	s1 =	sld [smem:$0x3FAF]  }
0x28: {  	s2 =	sld [smem:$0x3FB0]  }
0x29: {  	s4 =	sld [smem:$0x3FB2]  }
0x2a: {  	p0 =	seq.s32 s5, $0x0;
	s5 =	sld [smem:$0x3FB3]  }
0x2b: {  	s6 =	sld [smem:$0x3FB4]  }
0x2c: {  	s7 =	sld [smem:$0x3FB5]  }
0x2d: {  	s3 =	simm.s32 $0x108;
	s8 =	sld [smem:$0x3FB6]  }
0x2e: {  	s3 =	simm.s32 @!p0 $0x1082;
	s9 =	sld [smem:$0x3FB7]  }
0x2f: {  	lr =	sadd.s32 s0, s3;
	s0 =	sld [smem:$0x3FAE]  }
0x30: {  	s3 =	sld [smem:$0x3FB1]  }
0x31: {  	[smem:$0x3FBA] =	sst s10  }
0x32: {  	s10 =	sld [smem:$0x3FB8];
	_ =	sdelay $0x3  }
0x33: {  	p0 =	seq.s32 s10, $0x1;
	s10 =	sld [smem:$0x3FBA];
	_ =	sdelay $0x3  }
0x34: {  	[smem:$0x3FBA] =	sst s10  }
0x35: {  	s10 =	sld [smem:$0x3FB9];
	_ =	sdelay $0x3  }
0x36: {  	p1 =	seq.s32 s10, $0x1;
	s10 =	sld [smem:$0x3FBA];
	_ =	sdelay $0x3  }
0x37: {  	[smem:$0x3FBA] =	sst s10  }
0x38: {  	s10 =	sld [smem:$0x3FBB]  }
0x39: {  	_ = 	snop;
	(pc) =	sbr.ind lr, $3  }
0x3a: {  	_ = 	snop  }
0x3b: {  	_ = 	snop  }
0x3c: {  	p2 =	seq.s32 s10, $0x1;
	s10 =	sld [smem:$0x3FBA]  }
0x3d: {  	_ =	shalt  }
0x3e: {  	_ =	shalt  }
0x3f: {  	_ =	shalt  }
0x40: {  	_ =	shalt  }
0x41: {  	_ =	shalt  }
0x42: {  	_ =	shalt  }
0x43: {  	_ =	shalt  }
0x44: {  	_ =	shalt  }
0x45: {  	_ =	shalt  }
0x46: {  	_ =	shalt  }
0x47: {  	_ =	shalt  }
0x48: {  	_ =	shalt  }
0x49: {  	_ =	shalt  }
0x4a: {  	_ =	shalt  }
0x4b: {  	_ =	shalt  }
0x4c: {  	_ =	shalt  }
0x4d: {  	_ =	shalt  }
0x4e: {  	_ =	shalt  }
0x4f: {  	_ =	shalt  }
0x50: {  	_ =	shalt  }
0x51: {  	_ =	shalt  }
0x52: {  	_ =	shalt  }
0x53: {  	_ =	shalt  }
0x54: {  	_ =	shalt  }
0x55: {  	_ =	shalt  }
0x56: {  	_ =	shalt  }
0x57: {  	_ =	shalt  }
0x58: {  	_ =	shalt  }
0x59: {  	_ =	shalt  }
0x5a: {  	_ =	shalt  }
0x5b: {  	_ =	shalt  }
0x5c: {  	_ =	shalt  }
0x5d: {  	_ =	shalt  }
0x5e: {  	_ =	shalt  }
0x5f: {  	_ =	shalt  }
0x60: {  	_ =	shalt  }
0x61: {  	_ =	shalt  }
0x62: {  	_ =	shalt  }
0x63: {  	_ =	shalt  }
0x64: {  	_ =	shalt  }
0x65: {  	_ =	shalt  }
0x66: {  	_ =	shalt  }
0x67: {  	_ =	shalt  }
0x68: {  	_ =	shalt  }
0x69: {  	_ =	shalt  }
0x6a: {  	_ =	shalt  }
0x6b: {  	_ =	shalt  }
0x6c: {  	_ =	shalt  }
0x6d: {  	_ =	shalt  }
0x6e: {  	_ =	shalt  }
0x6f: {  	_ =	shalt  }
0x70: {  	_ =	shalt  }
0x71: {  	_ =	shalt  }
0x72: {  	_ =	shalt  }
0x73: {  	_ =	shalt  }
0x74: {  	_ =	shalt  }
0x75: {  	_ =	shalt  }
0x76: {  	_ =	shalt  }
0x77: {  	_ =	shalt  }
0x78: {  	_ =	shalt  }
0x79: {  	_ =	shalt  }
0x7a: {  	_ =	shalt  }
0x7b: {  	_ =	shalt  }
0x7c: {  	_ =	shalt  }
0x7d: {  	_ =	shalt  }
0x7e: {  	_ =	shalt  }
0x7f: {  	_ =	shalt  }
0x80: {  	_ =	shalt  }
0x81: {  	_ =	shalt  }
0x82: {  	_ =	shalt  }
0x83: {  	_ =	shalt  }
0x84: {  	_ =	shalt  }
0x85: {  	_ =	shalt  }
0x86: {  	_ =	shalt  }
0x87: {  	_ =	shalt  }
.Lfunc_end0:
.L_simem_size_0:
called_computation_lowered:
.L_overlay_start_0:
0x88: {  	s2 =	sld [smem:$0x3FD9]  }
0x89: {  	s3 =	sld [smem:$0x3FFE];
	_ =	sdelay $0x1  }
0x8a: {  	s1 =	srdreg.scid  }
0x8b: {  	s0 =	sand.u32 $0x1, s1  }
0x8c: {  	s18 =	sshll.u32 s0, $0xA;
	s2 =	sadd.s32 s3, s2  }
0x8d: {  	s2 =	sadd.s32 s2, s18  }
0x8e: {  	[smem:$0x3FC6] =	sst s2  }
0x8f: {  	_ = 	snop  }
0x90: {  	s2 =	sld [smem:$0x3FC9]  }
0x91: {  	s19 =	sld [smem:$0x3FC8]  }
0x92: {  	s4 =	sld [smem:$0x3FD0];
	(tm) =	ssettm $0x1  }
0x93: {  	s5 =	sld [smem:$0x3FFB];
	_ =	sdelay $0x3  }
0x94: {  	_ =	strace s5  }
0x95: {  	s5 =	sld [smem:$0x3FFC];
	_ =	sdelay $0x3  }
0x96: {  	_ =	strace s5  }
0x97: {  	s5 =	sld [smem:$0x3FFD];
	_ =	sdelay $0x3  }
0x98: {  	_ =	strace s5  }
0x99: {  	_ =	strace $0x8FFFFFFF  }
0x9a: {  	s20 =	sld [smem:$0x3FDB];
	_ =	sdelay $0x1  }
0x9b: {  	s6 =	simm.s32 $_scs_section_size  }
0x9c: {  	s7 =	simm.s32 $_size__tile_overlayer_lowered;
	s8 =	simm.s32 $_tile_overlayer_lowered  }
0x9d: {  	s23 =	simm.s32 $0x1BFF;
	s22 =	sshll.u32 s8, $0x1;
	s5 =	sadd.s32 s6, s20  }
0x9e: {  	s9 =	simm.s32 $0x0;
	s21 =	sshll.u32 s7, $0x1;
	s7 =	sadd.s32 s22, s5  }
0x9f: {  	[timem:s9], [sflag:s23] =	dma.local [hbm:s7], s21  }
0xa0: {  	_ =	swait.ge [sflag:s23], s21  }
0xa1: {  	s6 =	ssub.s32 $0x0, s21;
	[sflag:s23] =	ssyncset.done $0x0  }
0xa2: {  	[sflag:s23] =	ssyncadd.s32 s6;
	_ =	sdelay $0x1  }
0xa3: {  	s24 =	simm.s32 $0x1B8B  }
0xa4: {  	_ =	swait.ge [sflag:s24], $0x1  }
0xa5: {  	[sflag:s24] =	ssyncset.done $0x0  }
0xa6: {  	s25 =	simm.s32 $0x1B8E;
	[sflag:s24] =	ssyncadd.s32 $0xFFFFFFFF  }
0xa7: {  	s26 =	simm.s32 $execute0_lowered;
	[smem:$0x3FD2] =	sst s25  }
0xa8: {  	s6 =	sshll.u32 s26, $0x1;
	_ =	strace $0x80000046;
	[dreg:$0x1] =	wrdreg $0xFFFFFFFF  }
0xa9: {  	s28 =	simm.s32 $_size_execute0_lowered;
	s5 =	sadd.s32 s5, s6;
	[dreg:$0x0] =	wrdreg $0x0  }
0xaa: {  	s6 =	sshll.u32 s28, $0x1;
	[dreg:$0x2] =	wrdreg s5  }
0xab: {  	[dreg:$0x3] =	wrdreg s6  }
0xac: {  	[dreg:$0x4] =	wrdreg $0xC0  }
0xad: {  	_ =	task [dreg:s9], $0x5FFFF  }
0xae: {  	[dreg:$0x1] =	wrdreg $0xFFFFFFFF  }
0xaf: {  	[dreg:$0x0] =	wrdreg $0x60  }
0xb0: {  	[dreg:$0x2] =	wrdreg s2  }
0xb1: {  	[dreg:$0x3] =	wrdreg s19  }
0xb2: {  	[dreg:$0x4] =	wrdreg s4  }
0xb3: {  	[dreg:$0x5] =	wrdreg $0x9  }
0xb4: {  	_ =	task.clear_ibuf [dreg:s9], $0x6FFFF;
	_ =	strace $0x90000046  }
0xb5: {  	s29 =	simm.s32 $0x9;
	_ =	strace $0x80000048  }
0xb6: {  	_ =	swait.ge [sflag:s29], $0x1  }
0xb7: {  	[sflag:s29] =	ssyncadd.s32 $0xFFFFFFFF  }
0xb8: {  	_ =	strace $0x90000048  }
0xb9: {  	_ =	sfence  }
0xba: {  	s30 =	sld [smem:$0x0];
	_ =	sdelay $0x2  }
0xbb: {  	s31 =	sshll.u32 s1, $0xD;
	s1 =	sshrl.u32 s1, $0x2  }
0xbc: {  	s3 =	sand.u32 $0x4000, s31;
	s1 =	sadd.s32 s1, s30  }
0xbd: {  	s0 =	sor.u32 s3, s0;
	s1 =	sshll.u32 s1, $0x11  }
0xbe: {  	s0 =	sor.u32 s1, s0  }
0xbf: {  	s0 =	sadd.s32 $0x8F2B, s0  }
0xc0: {  	[sflag:s0] =	ssyncadd.remote.s32 $0x1  }
0xc1: {  	_ =	sfence.sel $0xFFFF  }
0xc2: {  	[dreg:$0x0] =	wrdreg $0xFFFFFFFF;
	(pc) =	sbr.abs _section_cstart, $3  }
0xc3: {  	[dreg:$0x1] =	wrdreg $0xFFFFFFFF  }
0xc4: {  	_ =	task.clear_ibuf [dreg:s9], $0x2FFFF;
	_ =	strace $0x9FFFFFFF  }
0xc5: {  	(tm) =	ssettm $0x7FFFFFFF  }
tec
execute0_lowered:
.L_overlay_start_1:
0x0: {  	(tag) =	ssettag $0x1  }
0x1: {  	s0 =	rddreg [dreg:$0x0]  }
0x2: {  	s1 =	rddreg [dreg:$0x1]  }
0x3: {  	s2 =	rddreg [dreg:$0x2];
	s4 =	srdreg.scid;
	s3 =	simm.s32 $0x0  }
0x4: {  	s9 =	stileid.u32;
	s12 =	simm.s32 $0x8900;
	s13 =	simm.s32 $0x9100  }
0x5: {  	s14 =	simm.s32 $0x9900;
	s15 =	simm.s32 $0xA100;
	s16 =	simm.s32 $0xA900  }
0x6: {  	s17 =	simm.s32 $0xB100;
	s18 =	simm.s32 $0xB900;
	[smem:$0x7FF] =	sst s3  }
0x7: {  	s19 =	simm.s32 $0xC100;
	_ =	strace $0x80000047;
	[dreg:$0x5] =	wrdreg s12  }
0x8: {  	s21 =	simm.s32 $0xC900;
	s22 =	simm.s32 $0xD100;
	[dreg:$0x6] =	wrdreg s13  }
0x9: {  	s23 =	simm.s32 $0xD900;
	s24 =	simm.s32 $0xE100;
	[dreg:$0x7] =	wrdreg s14  }
0xa: {  	s25 =	simm.s32 $0xE900;
	s26 =	simm.s32 $0xF100;
	[dreg:$0x8] =	wrdreg s15  }
0xb: {  	s28 =	simm.s32 $0xF900;
	s29 =	simm.s32 $0x8100;
	[dreg:$0x9] =	wrdreg s16  }
0xc: {  	s30 =	simm.s32 $0x1;
	s31 =	simm.s32 $0x3;
	[dreg:$0xa] =	wrdreg s17  }
0xd: {  	s7 =	sand.u32 $0x1, s4;
	s5 =	sshll.u32 s9, $0x9;
	[dreg:$0xb] =	wrdreg s18  }
0xe: {  	s10 =	sshll.u32 s9, $0x12;
	s9 =	sadd.s32 $0x500, s1;
	[dreg:$0xc] =	wrdreg s19  }
0xf: {  	s4 =	ssub.s32 $0x2, s7;
	s6 =	sshll.u32 s7, $0x8;
	[dreg:$0xd] =	wrdreg s21  }
0x10: {  	s11 =	sshll.u32 s7, $0x11;
	s7 =	sadd.s32 $0x300, s1;
	[dreg:$0xe] =	wrdreg s22  }
0x11: {  	s12 =	sadd.s32 $0x800, s1;
	s13 =	sadd.s32 $0x900, s1;
	[dreg:$0xf] =	wrdreg s23  }
0x12: {  	s14 =	sadd.s32 $0xA00, s1;
	s15 =	sadd.s32 $0xB00, s1;
	[dreg:$0x10] =	wrdreg s24  }
0x13: {  	s16 =	sadd.s32 $0xC00, s1;
	s17 =	sadd.s32 $0xD00, s1;
	[dreg:$0x11] =	wrdreg s25  }
0x14: {  	s18 =	sadd.s32 $0xE00, s1;
	s19 =	sadd.s32 $0xF00, s1;
	[dreg:$0x12] =	wrdreg s26  }
0x15: {  	s21 =	simm.s32 $0x5;
	s22 =	simm.s32 $0x100;
	[dreg:$0x13] =	wrdreg s28  }
0x16: {  	s23 =	simm.s32 $0x0;
	s8 =	sshrl.u32 s4, $0x1;
	s5 =	sor.u32 s6, s5  }
0x17: {  	s6 =	sadd.s32 $0x200, s1;
	s20 =	ssub.s32 s4, s8;
	s8 =	sshrl.u32 s5, $0x3  }
0x18: {  	s5 =	sadd.s32 $0x100, s1;
	s0 =	sadd.s32 s0, s8;
	s8 =	sadd.s32 $0x400, s1  }
0x19: {  	v0 =	vlaneseq.u32;
	s20 =	smax.u32 s20, $0x1;
	[dreg:$0x14] =	wrdreg s0;
	s0 =	sadd.s32 s10, s2  }
0x1a: {  	v1 =	vshrl.u32 v0, $0x3;
	s10 =	sadd.s32 $0x600, s1;
	s2 =	simm.s32 $0x4;
	s0 =	sadd.s32 s11, s0  }
0x1b: {  	vm0 =	vmmov $0xffff;
	v0 =	vand.u32 $0x7, v0;
	v1 =	vmul.u32 $0x8, v1;
	s11 =	sadd.s32 $0x700, s1;
	[dreg:$0x4] =	wrdreg s0;
	s0 =	simm.s32 $0x2  }
.LBB2_1:
0x1c: {  	s4 =	rddreg [dreg:$0x14]  }
0x1d: {  	[tilespmem:s3], [sflag:$0x5] =	stream.linear.gather [hbm4b:s4+s3], $0x100, $0x38;
	[tilespmem:$0x10100] =	vst v63  }
0x1e: {  	_ =	swait.ge [sflag:s21], $0x100  }
0x1f: {  	[sflag:s21] =	ssyncset.done $0x0  }
0x20: {  	[sflag:s21] =	ssyncadd.s32 $0xFFFFFF00  }
0x21: {  	v2 =	vld.msk [tilespmem:$0x0], $0xff;
	_ =	sdelay $0x4  }
0x22: {  	v3 =	vshll.u32 v2, $0x5  }
0x23: {  	v2 =	vand.u32 $0x7, v2;
	v3 =	vand.u32 $0xFFFFFF00, v3  }
0x24: {  	v2 =	vor.u32 v2, v3  }
0x25: {  	v2 =	vperm.xlane v2, v0;
	_ =	sdelay $0x1  }
0x26: {  	v2 =	vadd.s32 v1, v2;
	_ =	sdelay $0x4  }
0x27: {  	[tilespmem:s22], [sflag:$0x1] =	stream.indirect_vreg.gather [hbm4b:s1+s3], $0x80, v2, vm0, $0xb8;
	[tilespmem:$0x10100] =	vst v63  }
0x28: {  	s25 =	simm.s32 $0x900  }
0x29: {  	[tilespmem:s25], [sflag:$0x1] =	stream.indirect_vreg.gather [hbm4b:s5+s3], $0x80, v2, vm0, $0xb8;
	[tilespmem:$0x10100] =	vst v63  }
0x2a: {  	s26 =	simm.s32 $0x1100  }
0x2b: {  	[tilespmem:s26], [sflag:$0x1] =	stream.indirect_vreg.gather [hbm4b:s6+s3], $0x80, v2, vm0, $0xb8;
	[tilespmem:$0x10100] =	vst v63  }
0x2c: {  	s28 =	simm.s32 $0x1900  }
0x2d: {  	[tilespmem:s28], [sflag:$0x1] =	stream.indirect_vreg.gather [hbm4b:s7+s3], $0x80, v2, vm0, $0xb8;
	[tilespmem:$0x10100] =	vst v63  }
0x2e: {  	s24 =	simm.s32 $0x2100  }
0x2f: {  	[tilespmem:s24], [sflag:$0x1] =	stream.indirect_vreg.gather [hbm4b:s8+s3], $0x80, v2, vm0, $0xb8;
	[tilespmem:$0x10100] =	vst v63  }
0x30: {  	s25 =	simm.s32 $0x2900  }
0x31: {  	[tilespmem:s25], [sflag:$0x1] =	stream.indirect_vreg.gather [hbm4b:s9+s3], $0x80, v2, vm0, $0xb8;
	[tilespmem:$0x10100] =	vst v63  }
0x32: {  	s26 =	simm.s32 $0x3100  }
0x33: {  	[tilespmem:s26], [sflag:$0x1] =	stream.indirect_vreg.gather [hbm4b:s10+s3], $0x80, v2, vm0, $0xb8;
	[tilespmem:$0x10100] =	vst v63  }
0x34: {  	s28 =	simm.s32 $0x3900  }
0x35: {  	[tilespmem:s28], [sflag:$0x1] =	stream.indirect_vreg.gather [hbm4b:s11+s3], $0x80, v2, vm0, $0xb8;
	[tilespmem:$0x10100] =	vst v63  }
0x36: {  	s24 =	simm.s32 $0x4100  }
0x37: {  	[tilespmem:s24], [sflag:$0x1] =	stream.indirect_vreg.gather [hbm4b:s12+s3], $0x80, v2, vm0, $0xb8;
	[tilespmem:$0x10100] =	vst v63  }
0x38: {  	s25 =	simm.s32 $0x4900  }
0x39: {  	[tilespmem:s25], [sflag:$0x1] =	stream.indirect_vreg.gather [hbm4b:s13+s3], $0x80, v2, vm0, $0xb8;
	[tilespmem:$0x10100] =	vst v63  }
0x3a: {  	s26 =	simm.s32 $0x5100  }
0x3b: {  	[tilespmem:s26], [sflag:$0x1] =	stream.indirect_vreg.gather [hbm4b:s14+s3], $0x80, v2, vm0, $0xb8;
	[tilespmem:$0x10100] =	vst v63  }
0x3c: {  	s28 =	simm.s32 $0x5900  }
0x3d: {  	[tilespmem:s28], [sflag:$0x1] =	stream.indirect_vreg.gather [hbm4b:s15+s3], $0x80, v2, vm0, $0xb8;
	[tilespmem:$0x10100] =	vst v63  }
0x3e: {  	s24 =	simm.s32 $0x6100  }
0x3f: {  	[tilespmem:s24], [sflag:$0x1] =	stream.indirect_vreg.gather [hbm4b:s16+s3], $0x80, v2, vm0, $0xb8;
	[tilespmem:$0x10100] =	vst v63  }
0x40: {  	s25 =	simm.s32 $0x6900  }
0x41: {  	[tilespmem:s25], [sflag:$0x1] =	stream.indirect_vreg.gather [hbm4b:s17+s3], $0x80, v2, vm0, $0xb8;
	[tilespmem:$0x10100] =	vst v63  }
0x42: {  	s26 =	simm.s32 $0x7100  }
0x43: {  	[tilespmem:s26], [sflag:$0x1] =	stream.indirect_vreg.gather [hbm4b:s18+s3], $0x80, v2, vm0, $0xb8;
	[tilespmem:$0x10100] =	vst v63  }
0x44: {  	s28 =	simm.s32 $0x7900;
	s24 =	simm.s32 $0x10;
	s25 =	simm.s32 $0x0  }
0x45: {  	[tilespmem:s28], [sflag:$0x1] =	stream.indirect_vreg.gather [hbm4b:s19+s3], $0x80, v2, vm0, $0xb8;
	[tilespmem:$0x10100] =	vst v63  }
.LBB2_2:
0x46: {  	p0 =	seq.s32 s25, $0x0  }
0x47: {  	s26 =	simm.s32 @!p0 $0x4  }
0x48: {  	_ =	swait.ge @!p0 [sflag:s26], $0x8000  }
0x49: {  	[sflag:s26] =	ssyncset.done @!p0 $0x0  }
0x4a: {  	[sflag:s26] =	ssyncadd.s32 @!p0 $0xFFFF8000  }
0x4b: {  	v2 =	vld.msk [tilespmem:s24+$0xFFFFFFF8], $0xff;
	_ =	sdelay $0x4  }
0x4c: {  	v3 =	vshll.u32 v2, $0x5  }
0x4d: {  	v2 =	vand.u32 $0x7, v2;
	v3 =	vand.u32 $0xFFFFFF00, v3  }
0x4e: {  	v2 =	vor.u32 v2, v3  }
0x4f: {  	v2 =	vperm.xlane v2, v0;
	_ =	sdelay $0x1  }
0x50: {  	v2 =	vadd.s32 v1, v2;
	_ =	sdelay $0x4  }
0x51: {  	[tilespmem:s29], [sflag:$0x2] =	stream.indirect_vreg.gather [hbm4b:s1+s3], $0x80, v2, vm0, $0xb8;
	[tilespmem:$0x10100] =	vst v63  }
0x52: {  	s4 =	rddreg [dreg:$0x5]  }
0x53: {  	[tilespmem:s4], [sflag:$0x2] =	stream.indirect_vreg.gather [hbm4b:s5+s3], $0x80, v2, vm0, $0xb8;
	[tilespmem:$0x10100] =	vst v63  }
0x54: {  	s28 =	rddreg [dreg:$0x6]  }
0x55: {  	[tilespmem:s28], [sflag:$0x2] =	stream.indirect_vreg.gather [hbm4b:s6+s3], $0x80, v2, vm0, $0xb8;
	[tilespmem:$0x10100] =	vst v63  }
0x56: {  	s4 =	rddreg [dreg:$0x7]  }
0x57: {  	[tilespmem:s4], [sflag:$0x2] =	stream.indirect_vreg.gather [hbm4b:s7+s3], $0x80, v2, vm0, $0xb8;
	[tilespmem:$0x10100] =	vst v63  }
0x58: {  	s28 =	rddreg [dreg:$0x8]  }
0x59: {  	[tilespmem:s28], [sflag:$0x2] =	stream.indirect_vreg.gather [hbm4b:s8+s3], $0x80, v2, vm0, $0xb8;
	[tilespmem:$0x10100] =	vst v63  }
0x5a: {  	s4 =	rddreg [dreg:$0x9]  }
0x5b: {  	[tilespmem:s4], [sflag:$0x2] =	stream.indirect_vreg.gather [hbm4b:s9+s3], $0x80, v2, vm0, $0xb8;
	[tilespmem:$0x10100] =	vst v63  }
0x5c: {  	s28 =	rddreg [dreg:$0xa]  }
0x5d: {  	[tilespmem:s28], [sflag:$0x2] =	stream.indirect_vreg.gather [hbm4b:s10+s3], $0x80, v2, vm0, $0xb8;
	[tilespmem:$0x10100] =	vst v63  }
0x5e: {  	s4 =	rddreg [dreg:$0xb]  }
0x5f: {  	[tilespmem:s4], [sflag:$0x2] =	stream.indirect_vreg.gather [hbm4b:s11+s3], $0x80, v2, vm0, $0xb8;
	[tilespmem:$0x10100] =	vst v63  }
0x60: {  	s28 =	rddreg [dreg:$0xc]  }
0x61: {  	[tilespmem:s28], [sflag:$0x2] =	stream.indirect_vreg.gather [hbm4b:s12+s3], $0x80, v2, vm0, $0xb8;
	[tilespmem:$0x10100] =	vst v63  }
0x62: {  	s4 =	rddreg [dreg:$0xd]  }
0x63: {  	[tilespmem:s4], [sflag:$0x2] =	stream.indirect_vreg.gather [hbm4b:s13+s3], $0x80, v2, vm0, $0xb8;
	[tilespmem:$0x10100] =	vst v63  }
0x64: {  	s28 =	rddreg [dreg:$0xe]  }
0x65: {  	[tilespmem:s28], [sflag:$0x2] =	stream.indirect_vreg.gather [hbm4b:s14+s3], $0x80, v2, vm0, $0xb8;
	[tilespmem:$0x10100] =	vst v63  }
0x66: {  	s4 =	rddreg [dreg:$0xf]  }
0x67: {  	[tilespmem:s4], [sflag:$0x2] =	stream.indirect_vreg.gather [hbm4b:s15+s3], $0x80, v2, vm0, $0xb8;
	[tilespmem:$0x10100] =	vst v63  }
0x68: {  	s28 =	rddreg [dreg:$0x10]  }
0x69: {  	[tilespmem:s28], [sflag:$0x2] =	stream.indirect_vreg.gather [hbm4b:s16+s3], $0x80, v2, vm0, $0xb8;
	[tilespmem:$0x10100] =	vst v63  }
0x6a: {  	s4 =	rddreg [dreg:$0x11]  }
0x6b: {  	[tilespmem:s4], [sflag:$0x2] =	stream.indirect_vreg.gather [hbm4b:s17+s3], $0x80, v2, vm0, $0xb8;
	[tilespmem:$0x10100] =	vst v63  }
0x6c: {  	s28 =	rddreg [dreg:$0x12]  }
0x6d: {  	[tilespmem:s28], [sflag:$0x2] =	stream.indirect_vreg.gather [hbm4b:s18+s3], $0x80, v2, vm0, $0xb8;
	[tilespmem:$0x10100] =	vst v63  }
0x6e: {  	s4 =	rddreg [dreg:$0x13]  }
0x6f: {  	[tilespmem:s4], [sflag:$0x2] =	stream.indirect_vreg.gather [hbm4b:s19+s3], $0x80, v2, vm0, $0xb8;
	[tilespmem:$0x10100] =	vst v63  }
0x70: {  	_ =	swait.ge [sflag:s30], $0x8000  }
0x71: {  	s4 =	rddreg [dreg:$0x4];
	[sflag:s30] =	ssyncset.done $0x0  }
0x72: {  	[sflag:s30] =	ssyncadd.s32 $0xFFFF8000;
	s26 =	sadd.s32 s25, s4  }
0x73: {  	[hbm4b:s26+s3] =	stream.linear.scatter [tilespmem:s22], [sflag:$0x3], $0x8000, $0x38;
	[tilespmem:$0x10100] =	vst v63  }
0x74: {  	_ =	swait.ge [sflag:s31], $0x8000  }
0x75: {  	[sflag:s31] =	ssyncset.done $0x0  }
0x76: {  	p0 =	seq.s32 s25, $0x1E000;
	[sflag:s31] =	ssyncadd.s32 $0xFFFF8000  }
0x77: {  	v2 =	vld.msk @!p0 [tilespmem:s24+$0x0], $0xff;
	_ =	sdelay $0x4  }
0x78: {  	v3 =	vshll.u32 @!p0 v2, $0x5  }
0x79: {  	v4 =	vlaneseq.u32 @!p0;
	v2 =	vand.u32 @!p0 $0x7, v2;
	v3 =	vand.u32 @!p0 $0xFFFFFF00, v3  }
0x7a: {  	v2 =	vor.u32 @!p0 v2, v3;
	v3 =	vand.u32 @!p0 $0x7, v4;
	v4 =	vshrl.u32 @!p0 v4, $0x3  }
0x7b: {  	v2 =	vperm.xlane @!p0 v2, v3;
	v3 =	vmul.u32 @!p0 $0x8, v4;
	_ =	sdelay $0x1  }
0x7c: {  	v2 =	vadd.s32 @!p0 v3, v2;
	_ =	sdelay $0x3  }
0x7d: {  	vm1 =	vmmov @!p0 $0xffff;
	s28 =	simm.s32 @!p0 $0x0;
	s4 =	simm.s32 @!p0 $0x100  }
0x7e: {  	[tilespmem:s4], [sflag:$0x1] =	stream.indirect_vreg.gather @!p0 [hbm4b:s1+s28], $0x80, v2, vm1, $0xb8;
	[tilespmem:$0x10100] =	vst v63  }
0x7f: {  	s4 =	simm.s32 @!p0 $0x900  }
0x80: {  	[tilespmem:s4], [sflag:$0x1] =	stream.indirect_vreg.gather @!p0 [hbm4b:s5+s28], $0x80, v2, vm1, $0xb8;
	[tilespmem:$0x10100] =	vst v63  }
0x81: {  	s4 =	simm.s32 @!p0 $0x1100  }
0x82: {  	[tilespmem:s4], [sflag:$0x1] =	stream.indirect_vreg.gather @!p0 [hbm4b:s6+s28], $0x80, v2, vm1, $0xb8;
	[tilespmem:$0x10100] =	vst v63  }
0x83: {  	s4 =	simm.s32 @!p0 $0x1900  }
0x84: {  	[tilespmem:s4], [sflag:$0x1] =	stream.indirect_vreg.gather @!p0 [hbm4b:s7+s28], $0x80, v2, vm1, $0xb8;
	[tilespmem:$0x10100] =	vst v63  }
0x85: {  	s4 =	simm.s32 @!p0 $0x2100  }
0x86: {  	[tilespmem:s4], [sflag:$0x1] =	stream.indirect_vreg.gather @!p0 [hbm4b:s8+s28], $0x80, v2, vm1, $0xb8;
	[tilespmem:$0x10100] =	vst v63  }
0x87: {  	s4 =	simm.s32 @!p0 $0x2900  }
0x88: {  	[tilespmem:s4], [sflag:$0x1] =	stream.indirect_vreg.gather @!p0 [hbm4b:s9+s28], $0x80, v2, vm1, $0xb8;
	[tilespmem:$0x10100] =	vst v63  }
0x89: {  	s4 =	simm.s32 @!p0 $0x3100  }
0x8a: {  	[tilespmem:s4], [sflag:$0x1] =	stream.indirect_vreg.gather @!p0 [hbm4b:s10+s28], $0x80, v2, vm1, $0xb8;
	[tilespmem:$0x10100] =	vst v63  }
0x8b: {  	s4 =	simm.s32 @!p0 $0x3900  }
0x8c: {  	[tilespmem:s4], [sflag:$0x1] =	stream.indirect_vreg.gather @!p0 [hbm4b:s11+s28], $0x80, v2, vm1, $0xb8;
	[tilespmem:$0x10100] =	vst v63  }
0x8d: {  	s4 =	simm.s32 @!p0 $0x4100  }
0x8e: {  	[tilespmem:s4], [sflag:$0x1] =	stream.indirect_vreg.gather @!p0 [hbm4b:s12+s28], $0x80, v2, vm1, $0xb8;
	[tilespmem:$0x10100] =	vst v63  }
0x8f: {  	s4 =	simm.s32 @!p0 $0x4900  }
0x90: {  	[tilespmem:s4], [sflag:$0x1] =	stream.indirect_vreg.gather @!p0 [hbm4b:s13+s28], $0x80, v2, vm1, $0xb8;
	[tilespmem:$0x10100] =	vst v63  }
0x91: {  	s4 =	simm.s32 @!p0 $0x5100  }
0x92: {  	[tilespmem:s4], [sflag:$0x1] =	stream.indirect_vreg.gather @!p0 [hbm4b:s14+s28], $0x80, v2, vm1, $0xb8;
	[tilespmem:$0x10100] =	vst v63  }
0x93: {  	s4 =	simm.s32 @!p0 $0x5900  }
0x94: {  	[tilespmem:s4], [sflag:$0x1] =	stream.indirect_vreg.gather @!p0 [hbm4b:s15+s28], $0x80, v2, vm1, $0xb8;
	[tilespmem:$0x10100] =	vst v63  }
0x95: {  	s4 =	simm.s32 @!p0 $0x6100  }
0x96: {  	[tilespmem:s4], [sflag:$0x1] =	stream.indirect_vreg.gather @!p0 [hbm4b:s16+s28], $0x80, v2, vm1, $0xb8;
	[tilespmem:$0x10100] =	vst v63  }
0x97: {  	s4 =	simm.s32 @!p0 $0x6900  }
0x98: {  	[tilespmem:s4], [sflag:$0x1] =	stream.indirect_vreg.gather @!p0 [hbm4b:s17+s28], $0x80, v2, vm1, $0xb8;
	[tilespmem:$0x10100] =	vst v63  }
0x99: {  	s4 =	simm.s32 @!p0 $0x7100  }
0x9a: {  	[tilespmem:s4], [sflag:$0x1] =	stream.indirect_vreg.gather @!p0 [hbm4b:s18+s28], $0x80, v2, vm1, $0xb8;
	[tilespmem:$0x10100] =	vst v63  }
0x9b: {  	s25 =	sadd.s32 $0x2000, s25;
	s4 =	simm.s32 @!p0 $0x7900  }
0x9c: {  	[tilespmem:s4], [sflag:$0x1] =	stream.indirect_vreg.gather @!p0 [hbm4b:s19+s28], $0x80, v2, vm1, $0xb8;
	[tilespmem:$0x10100] =	vst v63  }
0x9d: {  	p0 =	sne.s32 s25, $0x20000  }
.Ltmp0:
0x9e: {  	_ = 	snop;
	(pc) =	sbr.rel @p0 .LBB2_2-.Ltmp0, $4  }
0x9f: {  	_ =	swait.ge [sflag:s0], $0x8000  }
0xa0: {  	[sflag:s0] =	ssyncset.done $0x0  }
0xa1: {  	s24 =	sadd.s32 $0x10, s24;
	s28 =	sadd.s32 $0x1000, s26;
	[sflag:s0] =	ssyncadd.s32 $0xFFFF8000  }
0xa2: {  	[hbm4b:s28+s3] =	stream.linear.scatter [tilespmem:s29], [sflag:$0x4], $0x8000, $0x38;
	[tilespmem:$0x10100] =	vst v63  }
0xa3: {  	s23 =	sadd.s32 $0x1, s23  }
0xa4: {  	p0 =	sne.s32 s23, s20  }
.Ltmp1:
0xa5: {  	_ = 	snop;
	(pc) =	sbr.rel @p0 .LBB2_1-.Ltmp1, $4  }
0xa6: {  	_ = 	snop  }
0xa7: {  	_ =	swait.ge [sflag:s2], $0x8000  }
0xa8: {  	[sflag:s2] =	ssyncset.done $0x0  }
0xa9: {  	[sflag:s2] =	ssyncadd.s32 $0xFFFF8000  }
0xaa: {  	_ =	sfence.sel $0x180000  }
0xab: {  	[bflag:$0x0] =	sbarrier.arrive $0xFFFF  }
0xac: {  	_ =	strace $0x90000047  }
0xad: {  	s0 =	stileid.u32;
	[bflag:$0x2] =	sbarrier.arrive $0xFFFF  }
0xae: {  	p0 =	sne.s32 s0, $0x0;
	s0 =	rddreg [dreg:$0x3]  }
0xaf: {  	s0 =	sadd.s32 @!p0 $0x100000, s0  }
0xb0: {  	[sflag:s0] =	ssyncadd.tile.s32 @!p0 $0x1;
	_ =	shalt  }
.Lfunc_end2:
_tile_overlayer_lowered:
.L_overlay_start_2:
0xb1: {  	(tag) =	ssettag $0x2  }
0xb2: {  	s0 =	rddreg [dreg:$0x0];
	s2 =	stileid.u32  }
0xb3: {  	s1 =	rddreg [dreg:$0x1];
	p0 =	sne.s32 s2, $0x0  }
0xb4: {  	s3 =	rddreg [dreg:$0x2];
	[bflag:$0x3] =	sbarrier.arrive $0xFFFF;
	s2 =	simm.s32 @!p0 $0x1C05  }
0xb5: {  	[timem:s3], [sflag:s2] =	dma.local @!p0 [hbm:s0], s1  }
0xb6: {  	s0 =	simm.s32 @!p0 $0x5  }
0xb7: {  	_ =	swait.ge @!p0 [sflag:s0], s1  }
0xb8: {  	s1 =	ssub.s32 @!p0 $0x0, s1;
	[sflag:s0] =	ssyncset.done @!p0 $0x0  }
0xb9: {  	[sflag:s0] =	ssyncadd.s32 @!p0 s1  }
0xba: {  	[bflag:$0x3] =	sbarrier.arrive $0xFFFF  }
0xbb: {  	_ =	shalt  }

</sc_bundles>
